<compile_context>
chip_gen: v7x
topology: tpu7x:2x2x1
jax: 0.10.2.dev20260603
libtpu: 0.0.44.dev20260713+nightly
codegen_flags: <defaults>
</compile_context>

<pallas_src>
import functools

import jax
import jax.numpy as jnp
from jax import lax
from jax.experimental import pallas as pl
from jax.experimental.pallas import tpu as pltpu
from jax.experimental.pallas import tpu_sc as plsc

_NUM_EXPERTS = 8
_EPG = 4
_ROUTE_SCALE = 2.5
_NEG_INF = float("-inf")


def _score_kernel(x_ref, w_ref, st_ref):
    st = lax.dot_general(
        w_ref[...], x_ref[...],
        dimension_numbers=(((0,), (1,)), ((), ())),
        preferred_element_type=jnp.float32,
    )
    st_ref[...] = jax.nn.sigmoid(st)


def _f16(v, dt=jnp.float32):
    return jnp.full((16,), v, dtype=dt)


def _make_route_kernel(num_tokens):
    info = plsc.get_sparse_core_info()
    nc, ns = info.num_cores, info.num_subcores
    nw = nc * ns
    tok_w = num_tokens // nw
    mesh = plsc.VectorSubcoreMesh(core_axis_name="c", subcore_axis_name="s")

    @functools.partial(
        pl.kernel, mesh=mesh,
        out_type=[
            jax.ShapeDtypeStruct((2, num_tokens), jnp.float32),
            jax.ShapeDtypeStruct((2, num_tokens), jnp.int32),
        ],
        scratch_types=[
            pltpu.VMEM((_NUM_EXPERTS, tok_w), jnp.float32),
            pltpu.VMEM((2, tok_w), jnp.float32),
            pltpu.VMEM((2, tok_w), jnp.int32),
        ],
    )
    def _route(scores_hbm, wout_hbm, iout_hbm, s_v, w_v, i_v):
        wid = lax.axis_index("s") * nc + lax.axis_index("c")
        base = wid * tok_w
        pltpu.sync_copy(scores_hbm.at[:, pl.ds(base, tok_w)], s_v)

        def body(chunk, _):
            sl = pl.ds(chunk * 16, 16)
            s = [s_v[e, sl] for e in range(_NUM_EXPERTS)]
            gmax0 = jnp.maximum(jnp.maximum(s[0], s[1]), jnp.maximum(s[2], s[3]))
            gmax1 = jnp.maximum(jnp.maximum(s[4], s[5]), jnp.maximum(s[6], s[7]))
            sel1 = gmax1 > gmax0
            c = [jnp.where(sel1, s[e + _EPG], s[e]) for e in range(_EPG)]
            m1 = jnp.maximum(jnp.maximum(c[0], c[1]), jnp.maximum(c[2], c[3]))
            i1 = jnp.where(
                c[0] == m1, _f16(0, jnp.int32),
                jnp.where(c[1] == m1, _f16(1, jnp.int32),
                          jnp.where(c[2] == m1, _f16(2, jnp.int32),
                                    _f16(3, jnp.int32))))
            d = [jnp.where(i1 == _f16(e, jnp.int32), _f16(_NEG_INF), c[e])
                 for e in range(_EPG)]
            m2 = jnp.maximum(jnp.maximum(d[0], d[1]), jnp.maximum(d[2], d[3]))
            i2 = jnp.where(
                d[0] == m2, _f16(0, jnp.int32),
                jnp.where(d[1] == m2, _f16(1, jnp.int32),
                          jnp.where(d[2] == m2, _f16(2, jnp.int32),
                                    _f16(3, jnp.int32))))
            goff = jnp.where(sel1, _f16(_EPG, jnp.int32), _f16(0, jnp.int32))
            inv = _f16(_ROUTE_SCALE) / (m1 + m2)
            w_v[0, sl] = m1 * inv
            w_v[1, sl] = m2 * inv
            i_v[0, sl] = i1 + goff
            i_v[1, sl] = i2 + goff
            return ()

        lax.fori_loop(0, tok_w // 16, body, ())
        pltpu.sync_copy(w_v, wout_hbm.at[:, pl.ds(base, tok_w)])
        pltpu.sync_copy(i_v, iout_hbm.at[:, pl.ds(base, tok_w)])

    return _route


@jax.jit
def kernel(x, W):
    num_tokens, hidden = x.shape
    block_t = 4096
    scores = pl.pallas_call(
        _score_kernel,
        grid=(num_tokens // block_t,),
        in_specs=[
            pl.BlockSpec((block_t, hidden), lambda i: (i, 0)),
            pl.BlockSpec((hidden, _NUM_EXPERTS), lambda i: (0, 0)),
        ],
        out_specs=pl.BlockSpec((_NUM_EXPERTS, block_t), lambda i: (0, i)),
        out_shape=jax.ShapeDtypeStruct((_NUM_EXPERTS, num_tokens), jnp.float32),
        compiler_params=pltpu.CompilerParams(
            dimension_semantics=("parallel",),
        ),
    )(x, W)
    weights_t, idx_t = _make_route_kernel(num_tokens)(scores)
    return weights_t.T.astype(x.dtype), idx_t.T

# --- scband reference (transcript-rebuilt; emitter-appended) ---
"""Pipeline reference for scband-deepseek-v3-gate-60894046323248 (READ-ONLY COPY).

The authoritative reference and input builder live on the scoring server;
editing this copy changes nothing except your own understanding.
"""

import jax, jax.numpy as jnp
import numpy as np

NUM_TOKENS = 32768
HIDDEN = 768
NUM_EXPERTS = 8
TOP_K = 2
N_EXPERT_GROUPS = 2
N_LIMITED_GROUPS = 1
ROUTE_SCALE = 2.5


def setup_inputs(seed: int = 0) -> dict:
    key = jax.random.key(seed)
    k1, k2 = jax.random.split(key)
    x = jax.random.normal(k1, (NUM_TOKENS, HIDDEN), dtype=jnp.float32)
    # lecun_normal init for gate kernel [hidden, num_experts]
    W = jax.random.normal(k2, (HIDDEN, NUM_EXPERTS), dtype=jnp.float32) * (1.0 / np.sqrt(HIDDEN))
    return {"x": x, "W": W}


def reference(x, W):
    # gate linear (no bias; hidden_size != 7168 so use_bias=False)
    scores = x @ W
    # score_func == 'sigmoid'
    scores = jax.nn.sigmoid(scores)
    original_scores = scores
    num_tokens = x.shape[0]
    experts_per_group = NUM_EXPERTS // N_EXPERT_GROUPS
    s = scores.reshape(num_tokens, N_EXPERT_GROUPS, experts_per_group)
    # use_bias is False -> group scores are per-group max
    group_scores = jnp.max(s, axis=-1)
    _, top_group_indices = jax.lax.top_k(group_scores, N_LIMITED_GROUPS)
    mask = jnp.ones((num_tokens, N_EXPERT_GROUPS), dtype=bool)
    batch_indices = jnp.arange(num_tokens)[:, None]
    mask = mask.at[batch_indices, top_group_indices].set(False)
    mask = jnp.broadcast_to(mask[:, :, None], s.shape)
    s = jnp.where(mask, -jnp.inf, s)
    s = s.reshape(num_tokens, NUM_EXPERTS)
    _, selected_experts = jax.lax.top_k(s, TOP_K)
    weights = jnp.take_along_axis(original_scores, selected_experts, axis=-1)
    # sigmoid score func -> normalize
    weights = weights / jnp.sum(weights, axis=-1, keepdims=True)
    weights = weights * ROUTE_SCALE
    return weights.astype(x.dtype), selected_experts

if __name__ == "__main__":
    import jax
    _d = setup_inputs()
    print(jax.jit(kernel)(*tuple(_d.values())))

</pallas_src>

<mosaic_0001>
#map = affine_map<(d0, d1) -> (0, 0)>
module attributes {stable_mosaic.version = 14 : i64} {
  func.func @_route(%arg0: i32, %arg1: i32, %arg2: memref<8x32768xf32, #tpu.memory_space<hbm>>, %arg3: memref<2x32768xf32, #tpu.memory_space<hbm>>, %arg4: memref<2x32768xi32, #tpu.memory_space<hbm>>, %arg5: memref<8x1024xf32, #tpu.memory_space<vmem>>, %arg6: memref<2x1024xf32, #tpu.memory_space<vmem>>, %arg7: memref<2x1024xi32, #tpu.memory_space<vmem>>) attributes {dimension_semantics = [#tpu.dimension_semantics<core_parallel>, #tpu.dimension_semantics<subcore_parallel>], iteration_bounds = array<i64: 2, 16>, scalar_prefetch = 0 : i64, scratch_operands = 3 : i64, tpu.core_type = #tpu.core_type<sc_vector_subcore>, window_params = [{transform_indices = #map}, {transform_indices = #map}, {transform_indices = #map}]} {
    %mul3A = arith.constant 2 : i32
    %mul3A_0 = arith.muli %arg1, %mul3A : i32
    %add3A = arith.addi %mul3A_0, %arg0 : i32
    %mul3A_1 = arith.constant 1024 : i32
    %mul3A_2 = arith.muli %add3A, %mul3A_1 : i32
    "tpu.region"() ({
      %run_scoped3A = tpu.sem_alloc : memref<!tpu.dma_semaphore, #tpu.memory_space<semaphore_mem>>
      %dma_start3A = arith.constant 0 : i32
      %dma_start3A_7 = tpu.memref_slice %arg2[%dma_start3A, %mul3A_2] : memref<8x32768xf32, #tpu.memory_space<hbm>> -> memref<8x1024xf32, #tpu.memory_space<hbm>>
      %dma_start3A_8 = arith.constant 0 : i32
      %dma_start3A_9 = tpu.memref_slice %arg2[%dma_start3A_8, %mul3A_2] : memref<8x32768xf32, #tpu.memory_space<hbm>> -> memref<8x1024xf32, #tpu.memory_space<hbm>>
      tpu.enqueue_dma source(%dma_start3A_9 : memref<8x1024xf32, #tpu.memory_space<hbm>>) target(%arg5 : memref<8x1024xf32, #tpu.memory_space<vmem>>) target_semaphore(%run_scoped3A : memref<!tpu.dma_semaphore, #tpu.memory_space<semaphore_mem>>)
      %dma_wait3A = arith.constant 0 : i32
      %dma_wait3A_10 = tpu.memref_slice %arg2[%dma_wait3A, %mul3A_2] : memref<8x32768xf32, #tpu.memory_space<hbm>> -> memref<8x1024xf32, #tpu.memory_space<hbm>>
      %dma_wait3A_11 = arith.constant 0 : i32
      %dma_wait3A_12 = tpu.memref_slice %arg2[%dma_wait3A_11, %mul3A_2] : memref<8x32768xf32, #tpu.memory_space<hbm>> -> memref<8x1024xf32, #tpu.memory_space<hbm>>
      tpu.wait_dma2 semaphore(%run_scoped3A : memref<!tpu.dma_semaphore, #tpu.memory_space<semaphore_mem>>) src(%dma_wait3A_12 : memref<8x1024xf32, #tpu.memory_space<hbm>>) dst(%arg5 : memref<8x1024xf32, #tpu.memory_space<vmem>>)
      tpu.yield
    }) : () -> ()
    %scan3A = arith.constant 0 : i32
    %scan3A_3 = arith.constant 64 : i32
    %scan3A_4 = arith.addi %scan3A, %scan3A_3 : i32
    %scan3A_5 = arith.constant 1 : i32
    scf.for %scan3A_7 = %scan3A to %scan3A_4 step %scan3A_5  : i32 {
      %mul3A_8 = arith.constant 16 : i32
      %mul3A_9 = arith.muli %scan3A_7, %mul3A_8 : i32
      %get3A = arith.constant 0 : i32
      %get3A_10 = arith.index_cast %get3A : i32 to index
      %get3A_11 = arith.index_cast %mul3A_9 : i32 to index
      %get3A_12 = tpu.vector_load %arg5[%get3A_10, %get3A_11] {strides = array<i32>} : memref<8x1024xf32, #tpu.memory_space<vmem>>, vector<1x16xf32>,
      %get3A_13 = vector.shape_cast %get3A_12 : vector<1x16xf32> to vector<16xf32>
      %get3A_14 = arith.constant 1 : i32
      %get3A_15 = arith.index_cast %get3A_14 : i32 to index
      %get3A_16 = arith.index_cast %mul3A_9 : i32 to index
      %get3A_17 = tpu.vector_load %arg5[%get3A_15, %get3A_16] {strides = array<i32>} : memref<8x1024xf32, #tpu.memory_space<vmem>>, vector<1x16xf32>,
      %get3A_18 = vector.shape_cast %get3A_17 : vector<1x16xf32> to vector<16xf32>
      %get3A_19 = arith.constant 2 : i32
      %get3A_20 = arith.index_cast %get3A_19 : i32 to index
      %get3A_21 = arith.index_cast %mul3A_9 : i32 to index
      %get3A_22 = tpu.vector_load %arg5[%get3A_20, %get3A_21] {strides = array<i32>} : memref<8x1024xf32, #tpu.memory_space<vmem>>, vector<1x16xf32>,
      %get3A_23 = vector.shape_cast %get3A_22 : vector<1x16xf32> to vector<16xf32>
      %get3A_24 = arith.constant 3 : i32
      %get3A_25 = arith.index_cast %get3A_24 : i32 to index
      %get3A_26 = arith.index_cast %mul3A_9 : i32 to index
      %get3A_27 = tpu.vector_load %arg5[%get3A_25, %get3A_26] {strides = array<i32>} : memref<8x1024xf32, #tpu.memory_space<vmem>>, vector<1x16xf32>,
      %get3A_28 = vector.shape_cast %get3A_27 : vector<1x16xf32> to vector<16xf32>
      %get3A_29 = arith.constant 4 : i32
      %get3A_30 = arith.index_cast %get3A_29 : i32 to index
      %get3A_31 = arith.index_cast %mul3A_9 : i32 to index
      %get3A_32 = tpu.vector_load %arg5[%get3A_30, %get3A_31] {strides = array<i32>} : memref<8x1024xf32, #tpu.memory_space<vmem>>, vector<1x16xf32>,
      %get3A_33 = vector.shape_cast %get3A_32 : vector<1x16xf32> to vector<16xf32>
      %get3A_34 = arith.constant 5 : i32
      %get3A_35 = arith.index_cast %get3A_34 : i32 to index
      %get3A_36 = arith.index_cast %mul3A_9 : i32 to index
      %get3A_37 = tpu.vector_load %arg5[%get3A_35, %get3A_36] {strides = array<i32>} : memref<8x1024xf32, #tpu.memory_space<vmem>>, vector<1x16xf32>,
      %get3A_38 = vector.shape_cast %get3A_37 : vector<1x16xf32> to vector<16xf32>
      %get3A_39 = arith.constant 6 : i32
      %get3A_40 = arith.index_cast %get3A_39 : i32 to index
      %get3A_41 = arith.index_cast %mul3A_9 : i32 to index
      %get3A_42 = tpu.vector_load %arg5[%get3A_40, %get3A_41] {strides = array<i32>} : memref<8x1024xf32, #tpu.memory_space<vmem>>, vector<1x16xf32>,
      %get3A_43 = vector.shape_cast %get3A_42 : vector<1x16xf32> to vector<16xf32>
      %get3A_44 = arith.constant 7 : i32
      %get3A_45 = arith.index_cast %get3A_44 : i32 to index
      %get3A_46 = arith.index_cast %mul3A_9 : i32 to index
      %get3A_47 = tpu.vector_load %arg5[%get3A_45, %get3A_46] {strides = array<i32>} : memref<8x1024xf32, #tpu.memory_space<vmem>>, vector<1x16xf32>,
      %get3A_48 = vector.shape_cast %get3A_47 : vector<1x16xf32> to vector<16xf32>
      %max3A = arith.maximumf %get3A_13, %get3A_18 : vector<16xf32>
      %max3A_49 = arith.maximumf %get3A_23, %get3A_28 : vector<16xf32>
      %max3A_50 = arith.maximumf %max3A, %max3A_49 : vector<16xf32>
      %max3A_51 = arith.maximumf %get3A_33, %get3A_38 : vector<16xf32>
      %max3A_52 = arith.maximumf %get3A_43, %get3A_48 : vector<16xf32>
      %max3A_53 = arith.maximumf %max3A_51, %max3A_52 : vector<16xf32>
      %gt3A = arith.cmpf ogt, %max3A_53, %max3A_50 : vector<16xf32>
      %select_n3A = arith.select %gt3A, %get3A_33, %get3A_13 : vector<16xi1>, vector<16xf32>
      %select_n3A_54 = arith.select %gt3A, %get3A_38, %get3A_18 : vector<16xi1>, vector<16xf32>
      %select_n3A_55 = arith.select %gt3A, %get3A_43, %get3A_23 : vector<16xi1>, vector<16xf32>
      %select_n3A_56 = arith.select %gt3A, %get3A_48, %get3A_28 : vector<16xi1>, vector<16xf32>
      %max3A_57 = arith.maximumf %select_n3A, %select_n3A_54 : vector<16xf32>
      %max3A_58 = arith.maximumf %select_n3A_55, %select_n3A_56 : vector<16xf32>
      %max3A_59 = arith.maximumf %max3A_57, %max3A_58 : vector<16xf32>
      %eq3A = arith.cmpf oeq, %select_n3A, %max3A_59 : vector<16xf32>
      %broadcast_in_dim3A = arith.constant 0 : i32
      %broadcast_in_dim3A_60 = vector.broadcast %broadcast_in_dim3A : i32 to vector<16xi32>
      %eq3A_61 = arith.cmpf oeq, %select_n3A_54, %max3A_59 : vector<16xf32>
      %broadcast_in_dim3A_62 = arith.constant 1 : i32
      %broadcast_in_dim3A_63 = vector.broadcast %broadcast_in_dim3A_62 : i32 to vector<16xi32>
      %eq3A_64 = arith.cmpf oeq, %select_n3A_55, %max3A_59 : vector<16xf32>
      %broadcast_in_dim3A_65 = arith.constant 2 : i32
      %broadcast_in_dim3A_66 = vector.broadcast %broadcast_in_dim3A_65 : i32 to vector<16xi32>
      %broadcast_in_dim3A_67 = arith.constant 3 : i32
      %broadcast_in_dim3A_68 = vector.broadcast %broadcast_in_dim3A_67 : i32 to vector<16xi32>
      %select_n3A_69 = arith.select %eq3A_64, %broadcast_in_dim3A_66, %broadcast_in_dim3A_68 : vector<16xi1>, vector<16xi32>
      %select_n3A_70 = arith.select %eq3A_61, %broadcast_in_dim3A_63, %select_n3A_69 : vector<16xi1>, vector<16xi32>
      %select_n3A_71 = arith.select %eq3A, %broadcast_in_dim3A_60, %select_n3A_70 : vector<16xi1>, vector<16xi32>
      %broadcast_in_dim3A_72 = arith.constant 0 : i32
      %broadcast_in_dim3A_73 = vector.broadcast %broadcast_in_dim3A_72 : i32 to vector<16xi32>
      %eq3A_74 = arith.cmpi eq, %select_n3A_71, %broadcast_in_dim3A_73 : vector<16xi32>
      %broadcast_in_dim3A_75 = arith.constant 0xFF800000 : f32
      %broadcast_in_dim3A_76 = vector.broadcast %broadcast_in_dim3A_75 : f32 to vector<16xf32>
      %select_n3A_77 = arith.select %eq3A_74, %broadcast_in_dim3A_76, %select_n3A : vector<16xi1>, vector<16xf32>
      %broadcast_in_dim3A_78 = arith.constant 1 : i32
      %broadcast_in_dim3A_79 = vector.broadcast %broadcast_in_dim3A_78 : i32 to vector<16xi32>
      %eq3A_80 = arith.cmpi eq, %select_n3A_71, %broadcast_in_dim3A_79 : vector<16xi32>
      %broadcast_in_dim3A_81 = arith.constant 0xFF800000 : f32
      %broadcast_in_dim3A_82 = vector.broadcast %broadcast_in_dim3A_81 : f32 to vector<16xf32>
      %select_n3A_83 = arith.select %eq3A_80, %broadcast_in_dim3A_82, %select_n3A_54 : vector<16xi1>, vector<16xf32>
      %broadcast_in_dim3A_84 = arith.constant 2 : i32
      %broadcast_in_dim3A_85 = vector.broadcast %broadcast_in_dim3A_84 : i32 to vector<16xi32>
      %eq3A_86 = arith.cmpi eq, %select_n3A_71, %broadcast_in_dim3A_85 : vector<16xi32>
      %broadcast_in_dim3A_87 = arith.constant 0xFF800000 : f32
      %broadcast_in_dim3A_88 = vector.broadcast %broadcast_in_dim3A_87 : f32 to vector<16xf32>
      %select_n3A_89 = arith.select %eq3A_86, %broadcast_in_dim3A_88, %select_n3A_55 : vector<16xi1>, vector<16xf32>
      %broadcast_in_dim3A_90 = arith.constant 3 : i32
      %broadcast_in_dim3A_91 = vector.broadcast %broadcast_in_dim3A_90 : i32 to vector<16xi32>
      %eq3A_92 = arith.cmpi eq, %select_n3A_71, %broadcast_in_dim3A_91 : vector<16xi32>
      %broadcast_in_dim3A_93 = arith.constant 0xFF800000 : f32
      %broadcast_in_dim3A_94 = vector.broadcast %broadcast_in_dim3A_93 : f32 to vector<16xf32>
      %select_n3A_95 = arith.select %eq3A_92, %broadcast_in_dim3A_94, %select_n3A_56 : vector<16xi1>, vector<16xf32>
      %max3A_96 = arith.maximumf %select_n3A_77, %select_n3A_83 : vector<16xf32>
      %max3A_97 = arith.maximumf %select_n3A_89, %select_n3A_95 : vector<16xf32>
      %max3A_98 = arith.maximumf %max3A_96, %max3A_97 : vector<16xf32>
      %eq3A_99 = arith.cmpf oeq, %select_n3A_77, %max3A_98 : vector<16xf32>
      %broadcast_in_dim3A_100 = arith.constant 0 : i32
      %broadcast_in_dim3A_101 = vector.broadcast %broadcast_in_dim3A_100 : i32 to vector<16xi32>
      %eq3A_102 = arith.cmpf oeq, %select_n3A_83, %max3A_98 : vector<16xf32>
      %broadcast_in_dim3A_103 = arith.constant 1 : i32
      %broadcast_in_dim3A_104 = vector.broadcast %broadcast_in_dim3A_103 : i32 to vector<16xi32>
      %eq3A_105 = arith.cmpf oeq, %select_n3A_89, %max3A_98 : vector<16xf32>
      %broadcast_in_dim3A_106 = arith.constant 2 : i32
      %broadcast_in_dim3A_107 = vector.broadcast %broadcast_in_dim3A_106 : i32 to vector<16xi32>
      %broadcast_in_dim3A_108 = arith.constant 3 : i32
      %broadcast_in_dim3A_109 = vector.broadcast %broadcast_in_dim3A_108 : i32 to vector<16xi32>
      %select_n3A_110 = arith.select %eq3A_105, %broadcast_in_dim3A_107, %broadcast_in_dim3A_109 : vector<16xi1>, vector<16xi32>
      %select_n3A_111 = arith.select %eq3A_102, %broadcast_in_dim3A_104, %select_n3A_110 : vector<16xi1>, vector<16xi32>
      %select_n3A_112 = arith.select %eq3A_99, %broadcast_in_dim3A_101, %select_n3A_111 : vector<16xi1>, vector<16xi32>
      %broadcast_in_dim3A_113 = arith.constant 4 : i32
      %broadcast_in_dim3A_114 = vector.broadcast %broadcast_in_dim3A_113 : i32 to vector<16xi32>
      %broadcast_in_dim3A_115 = arith.constant 0 : i32
      %broadcast_in_dim3A_116 = vector.broadcast %broadcast_in_dim3A_115 : i32 to vector<16xi32>
      %select_n3A_117 = arith.select %gt3A, %broadcast_in_dim3A_114, %broadcast_in_dim3A_116 : vector<16xi1>, vector<16xi32>
      %broadcast_in_dim3A_118 = arith.constant 2.500000e+00 : f32
      %broadcast_in_dim3A_119 = vector.broadcast %broadcast_in_dim3A_118 : f32 to vector<16xf32>
      %add3A_120 = arith.addf %max3A_59, %max3A_98 : vector<16xf32>
      %div3A = arith.divf %broadcast_in_dim3A_119, %add3A_120 : vector<16xf32>
      %mul3A_121 = arith.mulf %max3A_59, %div3A : vector<16xf32>
      %swap3A = arith.constant 0 : i32
      %swap3A_122 = arith.index_cast %swap3A : i32 to index
      %swap3A_123 = arith.index_cast %mul3A_9 : i32 to index
      %swap3A_124 = tpu.vector_load %arg6[%swap3A_122, %swap3A_123] {strides = array<i32>} : memref<2x1024xf32, #tpu.memory_space<vmem>>, vector<1x16xf32>,
      %swap3A_125 = vector.shape_cast %swap3A_124 : vector<1x16xf32> to vector<16xf32>
      %swap3A_126 = vector.shape_cast %mul3A_121 : vector<16xf32> to vector<1x16xf32>
      tpu.vector_store %arg6[%swap3A_122, %swap3A_123], %swap3A_126 {strides = array<i32>} : memref<2x1024xf32, #tpu.memory_space<vmem>>, vector<1x16xf32>,
      %mul3A_127 = arith.mulf %max3A_98, %div3A : vector<16xf32>
      %swap3A_128 = arith.constant 1 : i32
      %swap3A_129 = arith.index_cast %swap3A_128 : i32 to index
      %swap3A_130 = arith.index_cast %mul3A_9 : i32 to index
      %swap3A_131 = tpu.vector_load %arg6[%swap3A_129, %swap3A_130] {strides = array<i32>} : memref<2x1024xf32, #tpu.memory_space<vmem>>, vector<1x16xf32>,
      %swap3A_132 = vector.shape_cast %swap3A_131 : vector<1x16xf32> to vector<16xf32>
      %swap3A_133 = vector.shape_cast %mul3A_127 : vector<16xf32> to vector<1x16xf32>
      tpu.vector_store %arg6[%swap3A_129, %swap3A_130], %swap3A_133 {strides = array<i32>} : memref<2x1024xf32, #tpu.memory_space<vmem>>, vector<1x16xf32>,
      %add3A_134 = arith.addi %select_n3A_71, %select_n3A_117 : vector<16xi32>
      %swap3A_135 = arith.constant 0 : i32
      %swap3A_136 = arith.index_cast %swap3A_135 : i32 to index
      %swap3A_137 = arith.index_cast %mul3A_9 : i32 to index
      %swap3A_138 = tpu.vector_load %arg7[%swap3A_136, %swap3A_137] {strides = array<i32>} : memref<2x1024xi32, #tpu.memory_space<vmem>>, vector<1x16xi32>,
      %swap3A_139 = vector.shape_cast %swap3A_138 : vector<1x16xi32> to vector<16xi32>
      %swap3A_140 = vector.shape_cast %add3A_134 : vector<16xi32> to vector<1x16xi32>
      tpu.vector_store %arg7[%swap3A_136, %swap3A_137], %swap3A_140 {strides = array<i32>} : memref<2x1024xi32, #tpu.memory_space<vmem>>, vector<1x16xi32>,
      %add3A_141 = arith.addi %select_n3A_112, %select_n3A_117 : vector<16xi32>
      %swap3A_142 = arith.constant 1 : i32
      %swap3A_143 = arith.index_cast %swap3A_142 : i32 to index
      %swap3A_144 = arith.index_cast %mul3A_9 : i32 to index
      %swap3A_145 = tpu.vector_load %arg7[%swap3A_143, %swap3A_144] {strides = array<i32>} : memref<2x1024xi32, #tpu.memory_space<vmem>>, vector<1x16xi32>,
      %swap3A_146 = vector.shape_cast %swap3A_145 : vector<1x16xi32> to vector<16xi32>
      %swap3A_147 = vector.shape_cast %add3A_141 : vector<16xi32> to vector<1x16xi32>
      tpu.vector_store %arg7[%swap3A_143, %swap3A_144], %swap3A_147 {strides = array<i32>} : memref<2x1024xi32, #tpu.memory_space<vmem>>, vector<1x16xi32>,
    }
    %scan3A_6 = arith.constant 64 : i32
    "tpu.region"() ({
      %run_scoped3A = tpu.sem_alloc : memref<!tpu.dma_semaphore, #tpu.memory_space<semaphore_mem>>
      %dma_start3A = arith.constant 0 : i32
      %dma_start3A_7 = tpu.memref_slice %arg3[%dma_start3A, %mul3A_2] : memref<2x32768xf32, #tpu.memory_space<hbm>> -> memref<2x1024xf32, #tpu.memory_space<hbm>>
      %dma_start3A_8 = arith.constant 0 : i32
      %dma_start3A_9 = tpu.memref_slice %arg3[%dma_start3A_8, %mul3A_2] : memref<2x32768xf32, #tpu.memory_space<hbm>> -> memref<2x1024xf32, #tpu.memory_space<hbm>>
      tpu.enqueue_dma source(%arg6 : memref<2x1024xf32, #tpu.memory_space<vmem>>) target(%dma_start3A_9 : memref<2x1024xf32, #tpu.memory_space<hbm>>) target_semaphore(%run_scoped3A : memref<!tpu.dma_semaphore, #tpu.memory_space<semaphore_mem>>)
      %dma_wait3A = arith.constant 0 : i32
      %dma_wait3A_10 = tpu.memref_slice %arg3[%dma_wait3A, %mul3A_2] : memref<2x32768xf32, #tpu.memory_space<hbm>> -> memref<2x1024xf32, #tpu.memory_space<hbm>>
      %dma_wait3A_11 = arith.constant 0 : i32
      %dma_wait3A_12 = tpu.memref_slice %arg3[%dma_wait3A_11, %mul3A_2] : memref<2x32768xf32, #tpu.memory_space<hbm>> -> memref<2x1024xf32, #tpu.memory_space<hbm>>
      tpu.wait_dma2 semaphore(%run_scoped3A : memref<!tpu.dma_semaphore, #tpu.memory_space<semaphore_mem>>) src(%arg6 : memref<2x1024xf32, #tpu.memory_space<vmem>>) dst(%dma_wait3A_12 : memref<2x1024xf32, #tpu.memory_space<hbm>>)
      tpu.yield
    }) : () -> ()
    "tpu.region"() ({
      %run_scoped3A = tpu.sem_alloc : memref<!tpu.dma_semaphore, #tpu.memory_space<semaphore_mem>>
      %dma_start3A = arith.constant 0 : i32
      %dma_start3A_7 = tpu.memref_slice %arg4[%dma_start3A, %mul3A_2] : memref<2x32768xi32, #tpu.memory_space<hbm>> -> memref<2x1024xi32, #tpu.memory_space<hbm>>
      %dma_start3A_8 = arith.constant 0 : i32
      %dma_start3A_9 = tpu.memref_slice %arg4[%dma_start3A_8, %mul3A_2] : memref<2x32768xi32, #tpu.memory_space<hbm>> -> memref<2x1024xi32, #tpu.memory_space<hbm>>
      tpu.enqueue_dma source(%arg7 : memref<2x1024xi32, #tpu.memory_space<vmem>>) target(%dma_start3A_9 : memref<2x1024xi32, #tpu.memory_space<hbm>>) target_semaphore(%run_scoped3A : memref<!tpu.dma_semaphore, #tpu.memory_space<semaphore_mem>>)
      %dma_wait3A = arith.constant 0 : i32
      %dma_wait3A_10 = tpu.memref_slice %arg4[%dma_wait3A, %mul3A_2] : memref<2x32768xi32, #tpu.memory_space<hbm>> -> memref<2x1024xi32, #tpu.memory_space<hbm>>
      %dma_wait3A_11 = arith.constant 0 : i32
      %dma_wait3A_12 = tpu.memref_slice %arg4[%dma_wait3A_11, %mul3A_2] : memref<2x32768xi32, #tpu.memory_space<hbm>> -> memref<2x1024xi32, #tpu.memory_space<hbm>>
      tpu.wait_dma2 semaphore(%run_scoped3A : memref<!tpu.dma_semaphore, #tpu.memory_space<semaphore_mem>>) src(%arg7 : memref<2x1024xi32, #tpu.memory_space<vmem>>) dst(%dma_wait3A_12 : memref<2x1024xi32, #tpu.memory_space<hbm>>)
      tpu.yield
    }) : () -> ()
    return
  }
}

module attributes {stable_mosaic.version = 14 : i64} {
  func.func @_score_kernel(%arg0: i32, %arg1: memref<4096x768xf32, #tpu.memory_space<vmem>>, %arg2: memref<768x8xf32, #tpu.memory_space<vmem>>, %arg3: memref<8x4096xf32, #tpu.memory_space<vmem>>) attributes {dimension_semantics = [#tpu.dimension_semantics<parallel>], iteration_bounds = array<i64: 8>, scalar_prefetch = 0 : i64, scratch_operands = 0 : i64, tpu.core_type = #tpu.core_type<tc>, window_params = [{transform_indices = @transform_0, window_bounds = array<i64: 4096, 768>}, {pipeline_mode = #tpu.pipeline_mode<synchronous>, transform_indices = @transform_1, window_bounds = array<i64: 768, 8>}, {transform_indices = @transform_2, window_bounds = array<i64: 8, 4096>}]} {
    %get3A = arith.constant 0 : index
    %get3A_0 = arith.constant 0 : index
    %get3A_1 = vector.load %arg2[%get3A, %get3A_0] : memref<768x8xf32, #tpu.memory_space<vmem>>, vector<768x8xf32>
    %get3A_2 = arith.constant 0 : index
    %get3A_3 = arith.constant 0 : index
    %get3A_4 = vector.load %arg1[%get3A_2, %get3A_3] : memref<4096x768xf32, #tpu.memory_space<vmem>>, vector<4096x768xf32>
    %dot_general3A = arith.constant dense<0.000000e+00> : vector<8x4096xf32>
    %dot_general3A_5 = tpu.matmul %get3A_1, %get3A_4, %dot_general3A {dimension_numbers = #tpu.dot_dimension_numbers<[0], [1], [1], [0], [0, 1, 1, 0], [], []>, transpose_lhs_hint = false} : vector<768x8xf32>, vector<4096x768xf32>, vector<8x4096xf32> -> vector<8x4096xf32>
    %logistic3A = arith.negf %dot_general3A_5 : vector<8x4096xf32>
    %logistic3A_6 = math.exp %logistic3A : vector<8x4096xf32>
    %logistic3A_7 = arith.constant 1.000000e+00 : f32
    %logistic3A_8 = vector.broadcast %logistic3A_7 : f32 to vector<8x4096xf32>
    %logistic3A_9 = arith.addf %logistic3A_8, %logistic3A_6 : vector<8x4096xf32>
    %logistic3A_10 = arith.divf %logistic3A_8, %logistic3A_9 : vector<8x4096xf32>
    %swap3A = arith.constant 0 : index
    %swap3A_11 = arith.constant 0 : index
    %swap3A_12 = vector.load %arg3[%swap3A, %swap3A_11] : memref<8x4096xf32, #tpu.memory_space<vmem>>, vector<8x4096xf32>
    tpu.vector_store %arg3[%swap3A, %swap3A_11], %logistic3A_10 {strides = array<i32>} : memref<8x4096xf32, #tpu.memory_space<vmem>>, vector<8x4096xf32>,
    return
  }
  func.func @transform_0(%arg0: i32) -> (i32, i32) {
    %c0_i32 = arith.constant 0 : i32
    %c0_i32_0 = arith.constant 0 : i32
    return %arg0, %c0_i32 : i32, i32
  }
  func.func @transform_1(%arg0: i32) -> (i32, i32) {
    %c0_i32 = arith.constant 0 : i32
    %c0_i32_0 = arith.constant 0 : i32
    %c0_i32_1 = arith.constant 0 : i32
    return %c0_i32, %c0_i32_0 : i32, i32
  }
  func.func @transform_2(%arg0: i32) -> (i32, i32) {
    %c0_i32 = arith.constant 0 : i32
    %c0_i32_0 = arith.constant 0 : i32
    return %c0_i32, %arg0 : i32, i32
  }
}

</mosaic_0001>

<sc_bundles>
// kernel: kernel.4.cloned.1.call-start
scs
__scs_entry_jumppad:
0x0: {  	(pc) =	sbr.rel $0x88, $3  }
0x1: {  	(tag) =	ssettag $0x0;
	lr =	simm.s32 $0x1  }
0x2: {  	[smem:$0x3F9F] =	sst lr;
	_ =	strace $0xD0000000  }
0x3: {  	_ = 	snop  }
0x4: {  	_ = 	snop  }
0x5: {  	_ = 	snop  }
0x6: {  	_ = 	snop  }
0x7: {  	_ = 	snop  }
__scs_overlays_trampoline_lowered:
0x8: {  	[smem:$0x3FAE] =	sst s0  }
0x9: {  	[smem:$0x3FAF] =	sst s1  }
0xa: {  	[smem:$0x3FB0] =	sst s2  }
0xb: {  	[smem:$0x3FB1] =	sst s3  }
0xc: {  	[smem:$0x3FB2] =	sst s4  }
0xd: {  	[smem:$0x3FB3] =	sst s5  }
0xe: {  	[smem:$0x3FB4] =	sst s6  }
0xf: {  	[smem:$0x3FB5] =	sst s7  }
0x10: {  	[smem:$0x3FB6] =	sst s8  }
0x11: {  	[smem:$0x3FB7] =	sst s9;
	s0 =	simm.s32 @!p0 $0x0  }
0x12: {  	s1 =	sld [smem:$0x3F9D];
	s0 =	simm.s32 @p0 $0x1  }
0x13: {  	[smem:$0x3FB8] =	sst s0;
	s0 =	simm.s32 @!p1 $0x0  }
0x14: {  	s2 =	sld [smem:$0x3F9C];
	s0 =	simm.s32 @p1 $0x1  }
0x15: {  	[smem:$0x3FB9] =	sst s0;
	s0 =	simm.s32 @!p2 $0x0  }
0x16: {  	s3 =	sld [smem:$0x3FDB];
	s0 =	simm.s32 @p2 $0x1  }
0x17: {  	s4 =	simm.s32 $0x1BF5;
	[smem:$0x3FBB] =	sst s0  }
0x18: {  	s0 =	sld [smem:$0x3F9E];
	_ =	swait.ge [sflag:s4], $0x0  }
0x19: {  	s7 =	sld [smem:$0x3F9F]  }
0x1a: {  	s8 =	sadd.s32 $0xFFFFE003, lr  }
0x1b: {  	s9 =	sadd.s32 $0xFFFFFEF7, lr;
	s5 =	simm.s32 $0xFFFFFFFF;
	p2 =	slt.u32 s8, $0xFFFFF086  }
0x1c: {  	p1 =	slt.u32 s9, $0xF7A;
	s5 =	simm.s32 @!p2 $0x0  }
0x1d: {  	s5 =	simm.s32 @p1 $0x1;
	p0 =	seq.s32 s7, s2  }
0x1e: {  	s7 =	smul.u32 @!p0 $0xF7A, s2;
	p2 =	seq.s32 @!p0 s5, $0x0  }
0x1f: {  	s9 =	smul.u32 $0xF7A, s1;
	s8 =	simm.s32 @!p0 $0x1BF5;
	p2 =	por !p2, p0  }
0x20: {  	[sflag:s8] =	ssyncset.s32 @!p0 $0xFFFFF086;
	s6 =	sadd.s32 @!p0 s3, s7;
	s7 =	simm.s32 @!p0 $0x108  }
0x21: {  	s3 =	sadd.s32 s3, s9;
	s6 =	sadd.s32 @!p0 $0x88, s6;
	s7 =	simm.s32 @p2 $0x1082  }
0x22: {  	[simem:s7], [sflag:s8] =	dma.local @!p0 [hbm:s6], $0xF7A  }
0x23: {  	s9 =	sor.u32 $0xD0000000, s2;
	s6 =	simm.s32 $0x108;
	_ =	swait.ge @!p0 [sflag:s8], $0x0  }
0x24: {  	s3 =	sadd.s32 $0x88, s3;
	s6 =	simm.s32 @!p1 $0x1082;
	[sflag:s4] =	ssyncset.s32 $0xFFFFF086  }
0x25: {  	[simem:s6], [sflag:s4] =	dma.local [hbm:s3], $0xF7A  }
0x26: {  	[smem:$0x3F9F] =	sst s1;
	(tag) =	ssettag s2;
	_ =	strace s9  }
0x27: {  	s1 =	sld [smem:$0x3FAF]  }
0x28: {  	s2 =	sld [smem:$0x3FB0]  }
0x29: {  	s4 =	sld [smem:$0x3FB2]  }
0x2a: {  	p0 =	seq.s32 s5, $0x0;
	s5 =	sld [smem:$0x3FB3]  }
0x2b: {  	s6 =	sld [smem:$0x3FB4]  }
0x2c: {  	s7 =	sld [smem:$0x3FB5]  }
0x2d: {  	s3 =	simm.s32 $0x108;
	s8 =	sld [smem:$0x3FB6]  }
0x2e: {  	s3 =	simm.s32 @!p0 $0x1082;
	s9 =	sld [smem:$0x3FB7]  }
0x2f: {  	lr =	sadd.s32 s0, s3;
	s0 =	sld [smem:$0x3FAE]  }
0x30: {  	s3 =	sld [smem:$0x3FB1]  }
0x31: {  	[smem:$0x3FBA] =	sst s10  }
0x32: {  	s10 =	sld [smem:$0x3FB8];
	_ =	sdelay $0x3  }
0x33: {  	p0 =	seq.s32 s10, $0x1;
	s10 =	sld [smem:$0x3FBA];
	_ =	sdelay $0x3  }
0x34: {  	[smem:$0x3FBA] =	sst s10  }
0x35: {  	s10 =	sld [smem:$0x3FB9];
	_ =	sdelay $0x3  }
0x36: {  	p1 =	seq.s32 s10, $0x1;
	s10 =	sld [smem:$0x3FBA];
	_ =	sdelay $0x3  }
0x37: {  	[smem:$0x3FBA] =	sst s10  }
0x38: {  	s10 =	sld [smem:$0x3FBB]  }
0x39: {  	_ = 	snop;
	(pc) =	sbr.ind lr, $3  }
0x3a: {  	_ = 	snop  }
0x3b: {  	_ = 	snop  }
0x3c: {  	p2 =	seq.s32 s10, $0x1;
	s10 =	sld [smem:$0x3FBA]  }
0x3d: {  	_ =	shalt  }
0x3e: {  	_ =	shalt  }
0x3f: {  	_ =	shalt  }
0x40: {  	_ =	shalt  }
0x41: {  	_ =	shalt  }
0x42: {  	_ =	shalt  }
0x43: {  	_ =	shalt  }
0x44: {  	_ =	shalt  }
0x45: {  	_ =	shalt  }
0x46: {  	_ =	shalt  }
0x47: {  	_ =	shalt  }
0x48: {  	_ =	shalt  }
0x49: {  	_ =	shalt  }
0x4a: {  	_ =	shalt  }
0x4b: {  	_ =	shalt  }
0x4c: {  	_ =	shalt  }
0x4d: {  	_ =	shalt  }
0x4e: {  	_ =	shalt  }
0x4f: {  	_ =	shalt  }
0x50: {  	_ =	shalt  }
0x51: {  	_ =	shalt  }
0x52: {  	_ =	shalt  }
0x53: {  	_ =	shalt  }
0x54: {  	_ =	shalt  }
0x55: {  	_ =	shalt  }
0x56: {  	_ =	shalt  }
0x57: {  	_ =	shalt  }
0x58: {  	_ =	shalt  }
0x59: {  	_ =	shalt  }
0x5a: {  	_ =	shalt  }
0x5b: {  	_ =	shalt  }
0x5c: {  	_ =	shalt  }
0x5d: {  	_ =	shalt  }
0x5e: {  	_ =	shalt  }
0x5f: {  	_ =	shalt  }
0x60: {  	_ =	shalt  }
0x61: {  	_ =	shalt  }
0x62: {  	_ =	shalt  }
0x63: {  	_ =	shalt  }
0x64: {  	_ =	shalt  }
0x65: {  	_ =	shalt  }
0x66: {  	_ =	shalt  }
0x67: {  	_ =	shalt  }
0x68: {  	_ =	shalt  }
0x69: {  	_ =	shalt  }
0x6a: {  	_ =	shalt  }
0x6b: {  	_ =	shalt  }
0x6c: {  	_ =	shalt  }
0x6d: {  	_ =	shalt  }
0x6e: {  	_ =	shalt  }
0x6f: {  	_ =	shalt  }
0x70: {  	_ =	shalt  }
0x71: {  	_ =	shalt  }
0x72: {  	_ =	shalt  }
0x73: {  	_ =	shalt  }
0x74: {  	_ =	shalt  }
0x75: {  	_ =	shalt  }
0x76: {  	_ =	shalt  }
0x77: {  	_ =	shalt  }
0x78: {  	_ =	shalt  }
0x79: {  	_ =	shalt  }
0x7a: {  	_ =	shalt  }
0x7b: {  	_ =	shalt  }
0x7c: {  	_ =	shalt  }
0x7d: {  	_ =	shalt  }
0x7e: {  	_ =	shalt  }
0x7f: {  	_ =	shalt  }
0x80: {  	_ =	shalt  }
0x81: {  	_ =	shalt  }
0x82: {  	_ =	shalt  }
0x83: {  	_ =	shalt  }
0x84: {  	_ =	shalt  }
0x85: {  	_ =	shalt  }
0x86: {  	_ =	shalt  }
0x87: {  	_ =	shalt  }
.Lfunc_end0:
.L_simem_size_0:
called_computation_lowered:
.L_overlay_start_0:
0x88: {  	s2 =	sld [smem:$0x3FD9]  }
0x89: {  	s3 =	sld [smem:$0x3FFE];
	_ =	sdelay $0x1  }
0x8a: {  	s1 =	srdreg.scid  }
0x8b: {  	s0 =	sand.u32 $0x1, s1  }
0x8c: {  	s14 =	sshll.u32 s0, $0xA;
	s2 =	sadd.s32 s3, s2  }
0x8d: {  	s2 =	sadd.s32 s2, s14  }
0x8e: {  	[smem:$0x3FC6] =	sst s2  }
0x8f: {  	_ = 	snop  }
0x90: {  	s2 =	sld [smem:$0x3FD0];
	_ =	sdelay $0x2  }
0x91: {  	s15 =	simm.s32 $0xA;
	s4 =	simm.s32 $0x10  }
0x92: {  	[smem:s4], [sflag:s15] =	dma.local [hbm:s2], $0x1  }
0x93: {  	_ =	swait.eq [sflag:s15], $0x1  }
0x94: {  	[sflag:s15] =	ssyncset.done $0x0  }
0x95: {  	s16 =	sld [smem:$0x10];
	[sflag:s15] =	ssyncadd.s32 $0xFFFFFFFF  }
0x96: {  	s17 =	sld [smem:$0x11];
	(tm) =	ssettm $0x1  }
0x97: {  	s18 =	sld [smem:$0x3FFB];
	_ =	sdelay $0x3  }
0x98: {  	_ =	strace s18  }
0x99: {  	s4 =	sld [smem:$0x3FFC];
	_ =	sdelay $0x3  }
0x9a: {  	_ =	strace s4  }
0x9b: {  	s4 =	sld [smem:$0x3FFD];
	_ =	sdelay $0x3  }
0x9c: {  	_ =	strace s4  }
0x9d: {  	_ =	strace $0x8FFFFFFF  }
0x9e: {  	s19 =	sld [smem:$0x3FDB];
	_ =	sdelay $0x1  }
0x9f: {  	s5 =	simm.s32 $_scs_section_size  }
0xa0: {  	s6 =	simm.s32 $_size__tile_overlayer_lowered;
	s7 =	simm.s32 $_tile_overlayer_lowered  }
0xa1: {  	s22 =	simm.s32 $0x1BFF;
	s21 =	sshll.u32 s7, $0x1;
	s4 =	sadd.s32 s5, s19  }
0xa2: {  	s8 =	simm.s32 $0x0;
	s20 =	sshll.u32 s6, $0x1;
	s6 =	sadd.s32 s21, s4  }
0xa3: {  	[timem:s8], [sflag:s22] =	dma.local [hbm:s6], s20  }
0xa4: {  	_ =	swait.ge [sflag:s22], s20  }
0xa5: {  	s5 =	ssub.s32 $0x0, s20;
	[sflag:s22] =	ssyncset.done $0x0  }
0xa6: {  	[sflag:s22] =	ssyncadd.s32 s5;
	_ =	sdelay $0x1  }
0xa7: {  	s23 =	simm.s32 $0x1B8B  }
0xa8: {  	_ =	swait.ge [sflag:s23], $0x1  }
0xa9: {  	[sflag:s23] =	ssyncset.done $0x0  }
0xaa: {  	s25 =	simm.s32 $0x1B8E;
	s24 =	sld [smem:$0x3FFE];
	[sflag:s23] =	ssyncadd.s32 $0xFFFFFFFF  }
0xab: {  	s26 =	simm.s32 $execute0_lowered;
	[smem:$0x3FD2] =	sst s25  }
0xac: {  	s6 =	sshll.u32 s26, $0x1;
	_ =	strace $0x80000046;
	[dreg:$0x1] =	wrdreg $0xFFFFFFFF  }
0xad: {  	s28 =	simm.s32 $_size_execute0_lowered;
	s4 =	sadd.s32 s4, s6;
	[dreg:$0x0] =	wrdreg $0x0  }
0xae: {  	s6 =	sshll.u32 s28, $0x1;
	[dreg:$0x2] =	wrdreg s4  }
0xaf: {  	[dreg:$0x3] =	wrdreg s6  }
0xb0: {  	[dreg:$0x4] =	wrdreg $0xC0  }
0xb1: {  	_ =	task [dreg:s8], $0x5FFFF  }
0xb2: {  	[dreg:$0x1] =	wrdreg $0xFFFFFFFF  }
0xb3: {  	[dreg:$0x0] =	wrdreg $0x60  }
0xb4: {  	[dreg:$0x2] =	wrdreg s24  }
0xb5: {  	[dreg:$0x3] =	wrdreg s16  }
0xb6: {  	[dreg:$0x4] =	wrdreg s17  }
0xb7: {  	[dreg:$0x5] =	wrdreg $0x9  }
0xb8: {  	_ =	task.clear_ibuf [dreg:s8], $0x6FFFF;
	_ =	strace $0x90000046  }
0xb9: {  	s29 =	simm.s32 $0x9;
	_ =	strace $0x80000048  }
0xba: {  	_ =	swait.ge [sflag:s29], $0x1  }
0xbb: {  	[sflag:s29] =	ssyncadd.s32 $0xFFFFFFFF  }
0xbc: {  	_ =	strace $0x90000048  }
0xbd: {  	_ =	sfence  }
0xbe: {  	s30 =	sld [smem:$0x0];
	_ =	sdelay $0x2  }
0xbf: {  	s31 =	sshll.u32 s1, $0xD;
	s1 =	sshrl.u32 s1, $0x2  }
0xc0: {  	s3 =	sand.u32 $0x4000, s31;
	s1 =	sadd.s32 s1, s30  }
0xc1: {  	s0 =	sor.u32 s3, s0;
	s1 =	sshll.u32 s1, $0x11  }
0xc2: {  	s0 =	sor.u32 s1, s0  }
0xc3: {  	s0 =	sadd.s32 $0x8F2B, s0  }
0xc4: {  	[sflag:s0] =	ssyncadd.remote.s32 $0x1  }
0xc5: {  	_ =	sfence.sel $0xFFFF  }
0xc6: {  	[dreg:$0x0] =	wrdreg $0xFFFFFFFF;
	(pc) =	sbr.abs _section_cstart, $3  }
0xc7: {  	[dreg:$0x1] =	wrdreg $0xFFFFFFFF  }
0xc8: {  	_ =	task.clear_ibuf [dreg:s8], $0x2FFFF;
	_ =	strace $0x9FFFFFFF  }
0xc9: {  	(tm) =	ssettm $0x7FFFFFFF  }
tec
execute0_lowered:
.L_overlay_start_1:
0x0: {  	(tag) =	ssettag $0x1  }
0x1: {  	s3 =	rddreg [dreg:$0x0]  }
0x2: {  	s4 =	rddreg [dreg:$0x1]  }
0x3: {  	s5 =	rddreg [dreg:$0x2]  }
0x4: {  	s0 =	rddreg [dreg:$0x3];
	s6 =	srdreg.scid  }
0x5: {  	s2 =	simm.s32 $0x0;
	s1 =	stileid.u32;
	s9 =	simm.s32 $0x2800  }
0x6: {  	s10 =	simm.s32 $0x0;
	s6 =	sand.u32 $0x1, s6;
	[smem:$0x7FF] =	sst s2  }
0x7: {  	s7 =	sshll.u32 s1, $0xB;
	s8 =	sshll.u32 s6, $0xA;
	s6 =	ssub.s32 $0x2, s6  }
0x8: {  	_ =	strace $0x80000047;
	s7 =	sor.u32 s8, s7;
	s31 =	sshrl.u32 s6, $0x1  }
0x9: {  	s8 =	simm.s32 $0x2000;
	s3 =	sadd.s32 s7, s3;
	s7 =	sshrl.u32 s7, $0x2  }
0xa: {  	s6 =	ssub.s32 s6, s31;
	s3 =	sadd.s32 $0xA00, s3;
	s4 =	sadd.s32 s4, s7  }
0xb: {  	v0 =	vimm.s32 $0x3;
	v1 =	vimm.s32 $0x0;
	s5 =	sadd.s32 s5, s7;
	s6 =	smax.u32 s6, $0x1;
	s7 =	simm.s32 $0x1  }
.LBB2_1:
0xc: {  	[tilespmem:s2], [sflag:$0x1] =	stream.linear.gather [hbm4b:s3+s2], $0x2000, $0x38;
	[tilespmem:$0x3000] =	vst v63  }
0xd: {  	s11 =	simm.s32 $0x0;
	_ =	swait.ge [sflag:s7], $0x2000  }
0xe: {  	s12 =	sand.u32 $0x70, s2;
	s11 =	sand.u32 $0x3FFFFC00, s11;
	[sflag:s7] =	ssyncset.done $0x0  }
0xf: {  	s11 =	sor.u32 s12, s11;
	[sflag:s7] =	ssyncadd.s32 $0xFFFFE000  }
0x10: {  	v2 =	vld [tilespmem:s11+$0x380]  }
0x11: {  	v3 =	vld [tilespmem:s11+$0x180]  }
0x12: {  	v4 =	vld [tilespmem:s11+$0x280]  }
0x13: {  	v5 =	vld [tilespmem:s11+$0x100]  }
0x14: {  	v6 =	vld [tilespmem:s11+$0x0]  }
0x15: {  	v7 =	vld [tilespmem:s11+$0x300]  }
0x16: {  	v8 =	vld [tilespmem:s11+$0x200]  }
0x17: {  	v9 =	vld [tilespmem:s11+$0x80];
	_ =	sdelay $0x3  }
0x18: {  	v10 =	vmax.f32 v5, v3  }
0x19: {  	v11 =	vmax.f32 v7, v2;
	v12 =	vmax.f32 v8, v4;
	v13 =	vmax.f32 v6, v9  }
0x1a: {  	v11 =	vmax.f32 v12, v11;
	v10 =	vmax.f32 v13, v10  }
0x1b: {  	vm0 =	vgt.f32 v11, v10  }
0x1c: {  	v6 =	vsel vm0, v8, v6  }
0x1d: {  	v4 =	vsel vm0, v4, v9;
	v5 =	vsel vm0, v7, v5;
	v3 =	vsel vm0, v2, v3  }
0x1e: {  	v2 =	vmax.f32 v6, v4;
	v7 =	vmax.f32 v5, v3  }
0x1f: {  	v2 =	vmax.f32 v2, v7  }
0x20: {  	vm1 =	veq.f32 v5, v2  }
0x21: {  	vm2 =	veq.f32 v4, v2;
	v59 =	vsel vm1, $0x2, v0  }
0x22: {  	vm11 =	vne.f32 v6, v2;
	v7 =	vsel vm2, $0x1, v59  }
0x23: {  	v7 =	vnsel vm11, $0x0, v7  }
0x24: {  	vm3 =	veq.s32 v7, $0x2  }
0x25: {  	v6 =	vnsel vm11, $0xFF800000, v6;
	vm1 =	vmand vm11, vm2;
	v60 =	vsel vm3, $0xFF800000, v5  }
0x26: {  	v4 =	vsel vm1, $0xFF800000, v4;
	vm12 =	veq.s32 v7, $0x3;
	v3 =	vmax.f32 v60, v3  }
0x27: {  	v61 =	vmax.f32 v6, v4;
	v3 =	vsel vm12, v5, v3  }
0x28: {  	v3 =	vmax.f32 v61, v3  }
0x29: {  	vm13 =	veq.f32 v60, v3;
	v63 =	vadd.f32 v3, v2  }
0x2a: {  	s31 =	simm.s32 $0x0;
	v5 =	vsel vm0, $0x4, v1;
	vm14 =	veq.f32 v4, v3;
	v4 =	vsel vm13, $0x2, v0  }
0x2b: {  	s11 =	sand.u32 $0xFFFFFF00, s31;
	vm15 =	veq.f32 v6, v3;
	v4 =	vsel vm14, $0x1, v4;
	(erf) = vrcp.f32 v63  }
0x2c: {  	s14 =	sor.u32 s12, s11;
	v62 =	vor.u32 v5, v7;
	v4 =	vsel vm15, $0x0, v4  }
0x2d: {  	[tilespmem:s14+$0x2800] =	vst v62;
	v4 =	vor.u32 v5, v4  }
0x2e: {  	s11 =	simm.s32 $0x1;
	s12 =	simm.s32 $0x0;
	[tilespmem:s14+$0x2880] =	vst v4  }
.LBB2_2:
0x2f: {  	_ = 	snop  }
0x30: {  	p0 =	sne.s32 s11, $0x3F  }
0x31: {  	s12 =	sadd.s32 $0x10, s12;
	s13 =	smov.u32 s11;
	s11 =	sadd.s32 $0x1, s11  }
0x32: {  	_ =	sdelay $0x1  }
0x33: {  	v4 =	vpop (erf)  }
0x34: {  	v4 =	vmul.f32 $2.500000000e+00, v4;
	_ =	sdelay $0x1  }
0x35: {  	v2 =	vmul.f32 v4, v2;
	v3 =	vmul.f32 v4, v3  }
0x36: {  	s16 =	sshll.u32 s13, $0x7  }
0x37: {  	s15 =	sand.u32 $0x70, s12;
	s16 =	sand.u32 $0x3FFFFC00, s16;
	[tilespmem:s14+$0x2000] =	vst v2  }
0x38: {  	s16 =	sor.u32 s15, s16;
	[tilespmem:s14+$0x2080] =	vst v3  }
0x39: {  	v2 =	vld [tilespmem:s16+$0x380]  }
0x3a: {  	v3 =	vld [tilespmem:s16+$0x180]  }
0x3b: {  	v4 =	vld [tilespmem:s16+$0x280]  }
0x3c: {  	v5 =	vld [tilespmem:s16+$0x100]  }
0x3d: {  	v6 =	vld [tilespmem:s16+$0x0]  }
0x3e: {  	v7 =	vld [tilespmem:s16+$0x300]  }
0x3f: {  	v8 =	vld [tilespmem:s16+$0x200]  }
0x40: {  	v9 =	vld [tilespmem:s16+$0x80];
	_ =	sdelay $0x2  }
0x41: {  	v10 =	vmax.f32 v5, v3;
	v11 =	vmax.f32 v7, v2  }
0x42: {  	v12 =	vmax.f32 v8, v4  }
0x43: {  	v13 =	vmax.f32 v6, v9;
	v11 =	vmax.f32 v12, v11  }
0x44: {  	v10 =	vmax.f32 v13, v10  }
0x45: {  	vm0 =	vgt.f32 v11, v10  }
0x46: {  	v6 =	vsel vm0, v8, v6;
	v4 =	vsel vm0, v4, v9;
	v5 =	vsel vm0, v7, v5  }
0x47: {  	v3 =	vsel vm0, v2, v3;
	v2 =	vmax.f32 v6, v4  }
0x48: {  	v7 =	vmax.f32 v5, v3  }
0x49: {  	v2 =	vmax.f32 v2, v7  }
0x4a: {  	vm1 =	vne.f32 v6, v2;
	vm2 =	veq.f32 v4, v2;
	vm3 =	veq.f32 v5, v2  }
0x4b: {  	v7 =	vsel vm3, $0x2, v0;
	v6 =	vnsel vm1, $0xFF800000, v6;
	vm3 =	vmand vm1, vm2  }
0x4c: {  	s13 =	sshll.u32 s13, $0x5;
	v7 =	vsel vm2, $0x1, v7;
	v4 =	vsel vm3, $0xFF800000, v4  }
0x4d: {  	s13 =	sand.u32 $0xFFFFFF00, s13;
	v8 =	vsel vm0, $0x4, v1;
	v7 =	vnsel vm1, $0x0, v7  }
0x4e: {  	s14 =	sor.u32 s15, s13;
	vm0 =	veq.s32 v7, $0x2;
	v9 =	vor.u32 v8, v7  }
0x4f: {  	v10 =	vsel vm0, $0xFF800000, v5;
	[tilespmem:s14+$0x2800] =	vst v9  }
0x50: {  	vm0 =	veq.s32 v7, $0x3;
	v3 =	vmax.f32 v10, v3  }
0x51: {  	v7 =	vmax.f32 v6, v4;
	v3 =	vsel vm0, v5, v3  }
0x52: {  	v3 =	vmax.f32 v7, v3  }
0x53: {  	vm0 =	veq.f32 v4, v3;
	vm1 =	veq.f32 v10, v3;
	v4 =	vadd.f32 v3, v2  }
.Ltmp0:
0x54: {  	vm2 =	veq.f32 v6, v3;
	v5 =	vsel vm1, $0x2, v0;
	(pc) =	sbr.rel @p0 .LBB2_2-.Ltmp0, $4  }
0x55: {  	v5 =	vsel vm0, $0x1, v5;
	(erf) = vrcp.f32 v4  }
0x56: {  	v4 =	vsel vm2, $0x0, v5  }
0x57: {  	v4 =	vor.u32 v8, v4  }
0x58: {  	[tilespmem:s14+$0x2880] =	vst v4  }
0x59: {  	_ =	sdelay $0x4  }
0x5a: {  	v4 =	vpop (erf)  }
0x5b: {  	v4 =	vmul.f32 $2.500000000e+00, v4;
	_ =	sdelay $0x1  }
0x5c: {  	v2 =	vmul.f32 v4, v2  }
0x5d: {  	v3 =	vmul.f32 v4, v3  }
0x5e: {  	[tilespmem:s14+$0x2000] =	vst v2  }
0x5f: {  	[tilespmem:s14+$0x2080] =	vst v3  }
0x60: {  	[hbm4b:s4+s2] =	stream.linear.scatter [tilespmem:s8], [sflag:$0x1], $0x800, $0x38;
	[tilespmem:$0x3000] =	vst v63  }
0x61: {  	s10 =	sadd.s32 $0x1, s10;
	_ =	swait.ge [sflag:s7], $0x800  }
0x62: {  	p0 =	sne.s32 s10, s6;
	[sflag:s7] =	ssyncset.done $0x0  }
.Ltmp1:
0x63: {  	[sflag:s7] =	ssyncadd.s32 $0xFFFFF800;
	(pc) =	sbr.rel @p0 .LBB2_1-.Ltmp1, $4  }
0x64: {  	[hbm4b:s5+s2] =	stream.linear.scatter [tilespmem:s9], [sflag:$0x1], $0x800, $0x38;
	[tilespmem:$0x3000] =	vst v63  }
0x65: {  	_ =	swait.ge [sflag:s7], $0x800  }
0x66: {  	[sflag:s7] =	ssyncset.done $0x0  }
0x67: {  	[sflag:s7] =	ssyncadd.s32 $0xFFFFF800  }
0x68: {  	_ =	sfence.sel $0x180000  }
0x69: {  	[bflag:$0x0] =	sbarrier.arrive $0xFFFF  }
0x6a: {  	p0 =	sne.s32 s1, $0x0;
	_ =	strace $0x90000047  }
0x6b: {  	s0 =	sadd.s32 @!p0 $0x100000, s0;
	[bflag:$0x2] =	sbarrier.arrive $0xFFFF  }
0x6c: {  	[sflag:s0] =	ssyncadd.tile.s32 @!p0 $0x1;
	_ =	shalt  }
.Lfunc_end2:
_tile_overlayer_lowered:
.L_overlay_start_2:
0x6d: {  	(tag) =	ssettag $0x2  }
0x6e: {  	s0 =	rddreg [dreg:$0x0];
	s2 =	stileid.u32  }
0x6f: {  	s1 =	rddreg [dreg:$0x1];
	p0 =	sne.s32 s2, $0x0  }
0x70: {  	s3 =	rddreg [dreg:$0x2];
	[bflag:$0x3] =	sbarrier.arrive $0xFFFF;
	s2 =	simm.s32 @!p0 $0x1C01  }
0x71: {  	[timem:s3], [sflag:s2] =	dma.local @!p0 [hbm:s0], s1  }
0x72: {  	s0 =	simm.s32 @!p0 $0x1  }
0x73: {  	_ =	swait.ge @!p0 [sflag:s0], s1  }
0x74: {  	s1 =	ssub.s32 @!p0 $0x0, s1;
	[sflag:s0] =	ssyncset.done @!p0 $0x0  }
0x75: {  	[sflag:s0] =	ssyncadd.s32 @!p0 s1  }
0x76: {  	[bflag:$0x3] =	sbarrier.arrive $0xFFFF  }
0x77: {  	_ =	shalt  }

</sc_bundles>
